<compile_context>
chip_gen: v7x
topology: tpu7x:2x2x1
jax: 0.10.2.dev20260603
libtpu: 0.0.44.dev20260713+nightly
codegen_flags: <defaults>
</compile_context>

<pallas_src>
import functools

import jax
from jax.experimental import pallas as pl
from jax.experimental.pallas import tpu as pltpu
from jax.experimental.pallas import tpu_sc as plsc


def kernel(inputs):
    B, T, D = inputs.shape

    mesh = plsc.ScalarSubcoreMesh(axis_name="c", num_cores=1)

    @functools.partial(
        pl.kernel,
        mesh=mesh,
        out_type=jax.ShapeDtypeStruct((B, D), inputs.dtype),
    )
    def extract(in_hbm, out_hbm):
        pltpu.sync_copy(in_hbm.at[:, 0, :], out_hbm)

    return extract(inputs)

# --- scband reference (transcript-rebuilt; emitter-appended) ---
"""Pipeline reference for scband-quantized-extract-token-22548578304420 (READ-ONLY COPY).

The authoritative reference and input builder live on the scoring server;
editing this copy changes nothing except your own understanding.
"""

import jax, jax.numpy as jnp
import numpy as np

TOKEN = 0

def setup_inputs(seed: int = 0) -> dict:
    key = jax.random.key(seed)
    inputs = jax.random.normal(key, (4, 8192, 2048), dtype=jnp.float32)
    return {"inputs": inputs}

def reference(inputs):
    # tf.gather(inputs, token, axis=1) with scalar token -> drops axis 1
    return jnp.take(inputs, TOKEN, axis=1)

if __name__ == "__main__":
    import jax
    _d = setup_inputs()
    print(jax.jit(kernel)(*tuple(_d.values())))

</pallas_src>

<mosaic_0001>
#map = affine_map<(d0) -> (0, 0, 0)>
#map1 = affine_map<(d0) -> (0, 0)>
module attributes {stable_mosaic.version = 14 : i64} {
  func.func @extract(%arg0: i32, %arg1: memref<4x8192x2048xf32, #tpu.memory_space<hbm>>, %arg2: memref<4x2048xf32, #tpu.memory_space<hbm>>) attributes {dimension_semantics = [#tpu.dimension_semantics<core_parallel>], iteration_bounds = array<i64: 1>, scalar_prefetch = 0 : i64, scratch_operands = 0 : i64, tpu.core_type = #tpu.core_type<sc_scalar_subcore>, window_params = [{transform_indices = #map}, {transform_indices = #map1}]} {
    %run_scoped3A = arith.constant 0 : i32
    "tpu.region"() ({
      %run_scoped3A_0 = tpu.sem_alloc : memref<!tpu.dma_semaphore, #tpu.memory_space<semaphore_mem>>
      %dma_start3A = arith.constant 0 : i32
      %dma_start3A_1 = arith.constant 0 : i32
      %dma_start3A_2 = tpu.memref_slice %arg1[%dma_start3A, %run_scoped3A, %dma_start3A_1] : memref<4x8192x2048xf32, #tpu.memory_space<hbm>> -> memref<4x1x2048xf32, #tpu.memory_space<hbm>>
      %dma_start3A_3 = tpu.memref_squeeze %dma_start3A_2 : memref<4x1x2048xf32, #tpu.memory_space<hbm>> -> memref<4x2048xf32, #tpu.memory_space<hbm>>
      tpu.enqueue_dma source(%dma_start3A_3 : memref<4x2048xf32, #tpu.memory_space<hbm>>) target(%arg2 : memref<4x2048xf32, #tpu.memory_space<hbm>>) target_semaphore(%run_scoped3A_0 : memref<!tpu.dma_semaphore, #tpu.memory_space<semaphore_mem>>)
      %dma_wait3A = arith.constant 0 : i32
      %dma_wait3A_4 = arith.constant 0 : i32
      %dma_wait3A_5 = tpu.memref_slice %arg1[%dma_wait3A, %run_scoped3A, %dma_wait3A_4] : memref<4x8192x2048xf32, #tpu.memory_space<hbm>> -> memref<4x1x2048xf32, #tpu.memory_space<hbm>>
      %dma_wait3A_6 = tpu.memref_squeeze %dma_wait3A_5 : memref<4x1x2048xf32, #tpu.memory_space<hbm>> -> memref<4x2048xf32, #tpu.memory_space<hbm>>
      tpu.wait_dma2 semaphore(%run_scoped3A_0 : memref<!tpu.dma_semaphore, #tpu.memory_space<semaphore_mem>>) src(%dma_wait3A_6 : memref<4x2048xf32, #tpu.memory_space<hbm>>) dst(%arg2 : memref<4x2048xf32, #tpu.memory_space<hbm>>)
      tpu.yield
    }) : () -> ()
    return
  }
}

</mosaic_0001>

<sc_bundles>
// kernel: kernel.3.cloned.1.call-start
scs
__scs_entry_jumppad:
0x0: {  	(pc) =	sbr.rel $0x88, $3  }
0x1: {  	(tag) =	ssettag $0x0;
	lr =	simm.s32 $0x1  }
0x2: {  	[smem:$0x3FA0] =	sst lr;
	_ =	strace $0xD0000000  }
0x3: {  	_ = 	snop  }
0x4: {  	_ = 	snop  }
0x5: {  	_ = 	snop  }
0x6: {  	_ = 	snop  }
0x7: {  	_ = 	snop  }
__scs_overlays_trampoline_lowered:
0x8: {  	[smem:$0x3FAF] =	sst s0  }
0x9: {  	[smem:$0x3FB0] =	sst s1  }
0xa: {  	[smem:$0x3FB1] =	sst s2  }
0xb: {  	[smem:$0x3FB2] =	sst s3  }
0xc: {  	[smem:$0x3FB3] =	sst s4  }
0xd: {  	[smem:$0x3FB4] =	sst s5  }
0xe: {  	[smem:$0x3FB5] =	sst s6  }
0xf: {  	[smem:$0x3FB6] =	sst s7  }
0x10: {  	[smem:$0x3FB7] =	sst s8  }
0x11: {  	[smem:$0x3FB8] =	sst s9;
	s0 =	simm.s32 @!p0 $0x0  }
0x12: {  	s1 =	sld [smem:$0x3F9E];
	s0 =	simm.s32 @p0 $0x1  }
0x13: {  	[smem:$0x3FB9] =	sst s0;
	s0 =	simm.s32 @!p1 $0x0  }
0x14: {  	s2 =	sld [smem:$0x3F9D];
	s0 =	simm.s32 @p1 $0x1  }
0x15: {  	[smem:$0x3FBA] =	sst s0;
	s0 =	simm.s32 @!p2 $0x0  }
0x16: {  	s3 =	sld [smem:$0x3FDB];
	s0 =	simm.s32 @p2 $0x1  }
0x17: {  	s4 =	simm.s32 $0x1BF5;
	[smem:$0x3FBC] =	sst s0  }
0x18: {  	s0 =	sld [smem:$0x3F9F];
	_ =	swait.ge [sflag:s4], $0x0  }
0x19: {  	s7 =	sld [smem:$0x3FA0]  }
0x1a: {  	s8 =	sadd.s32 $0xFFFFE003, lr  }
0x1b: {  	s9 =	sadd.s32 $0xFFFFFEF7, lr;
	s5 =	simm.s32 $0xFFFFFFFF;
	p2 =	slt.u32 s8, $0xFFFFF086  }
0x1c: {  	p1 =	slt.u32 s9, $0xF7A;
	s5 =	simm.s32 @!p2 $0x0  }
0x1d: {  	s5 =	simm.s32 @p1 $0x1;
	p0 =	seq.s32 s7, s2  }
0x1e: {  	s7 =	smul.u32 @!p0 $0xF7A, s2;
	p2 =	seq.s32 @!p0 s5, $0x0  }
0x1f: {  	s9 =	smul.u32 $0xF7A, s1;
	s8 =	simm.s32 @!p0 $0x1BF5;
	p2 =	por !p2, p0  }
0x20: {  	[sflag:s8] =	ssyncset.s32 @!p0 $0xFFFFF086;
	s6 =	sadd.s32 @!p0 s3, s7;
	s7 =	simm.s32 @!p0 $0x108  }
0x21: {  	s3 =	sadd.s32 s3, s9;
	s6 =	sadd.s32 @!p0 $0x88, s6;
	s7 =	simm.s32 @p2 $0x1082  }
0x22: {  	[simem:s7], [sflag:s8] =	dma.local @!p0 [hbm:s6], $0xF7A  }
0x23: {  	s9 =	sor.u32 $0xD0000000, s2;
	s6 =	simm.s32 $0x108;
	_ =	swait.ge @!p0 [sflag:s8], $0x0  }
0x24: {  	s3 =	sadd.s32 $0x88, s3;
	s6 =	simm.s32 @!p1 $0x1082;
	[sflag:s4] =	ssyncset.s32 $0xFFFFF086  }
0x25: {  	[simem:s6], [sflag:s4] =	dma.local [hbm:s3], $0xF7A  }
0x26: {  	[smem:$0x3FA0] =	sst s1;
	(tag) =	ssettag s2;
	_ =	strace s9  }
0x27: {  	s1 =	sld [smem:$0x3FB0]  }
0x28: {  	s2 =	sld [smem:$0x3FB1]  }
0x29: {  	s4 =	sld [smem:$0x3FB3]  }
0x2a: {  	p0 =	seq.s32 s5, $0x0;
	s5 =	sld [smem:$0x3FB4]  }
0x2b: {  	s6 =	sld [smem:$0x3FB5]  }
0x2c: {  	s7 =	sld [smem:$0x3FB6]  }
0x2d: {  	s3 =	simm.s32 $0x108;
	s8 =	sld [smem:$0x3FB7]  }
0x2e: {  	s3 =	simm.s32 @!p0 $0x1082;
	s9 =	sld [smem:$0x3FB8]  }
0x2f: {  	lr =	sadd.s32 s0, s3;
	s0 =	sld [smem:$0x3FAF]  }
0x30: {  	s3 =	sld [smem:$0x3FB2]  }
0x31: {  	[smem:$0x3FBB] =	sst s10  }
0x32: {  	s10 =	sld [smem:$0x3FB9];
	_ =	sdelay $0x3  }
0x33: {  	p0 =	seq.s32 s10, $0x1;
	s10 =	sld [smem:$0x3FBB];
	_ =	sdelay $0x3  }
0x34: {  	[smem:$0x3FBB] =	sst s10  }
0x35: {  	s10 =	sld [smem:$0x3FBA];
	_ =	sdelay $0x3  }
0x36: {  	p1 =	seq.s32 s10, $0x1;
	s10 =	sld [smem:$0x3FBB];
	_ =	sdelay $0x3  }
0x37: {  	[smem:$0x3FBB] =	sst s10  }
0x38: {  	s10 =	sld [smem:$0x3FBC]  }
0x39: {  	_ = 	snop;
	(pc) =	sbr.ind lr, $3  }
0x3a: {  	_ = 	snop  }
0x3b: {  	_ = 	snop  }
0x3c: {  	p2 =	seq.s32 s10, $0x1;
	s10 =	sld [smem:$0x3FBB]  }
0x3d: {  	_ =	shalt  }
0x3e: {  	_ =	shalt  }
0x3f: {  	_ =	shalt  }
0x40: {  	_ =	shalt  }
0x41: {  	_ =	shalt  }
0x42: {  	_ =	shalt  }
0x43: {  	_ =	shalt  }
0x44: {  	_ =	shalt  }
0x45: {  	_ =	shalt  }
0x46: {  	_ =	shalt  }
0x47: {  	_ =	shalt  }
0x48: {  	_ =	shalt  }
0x49: {  	_ =	shalt  }
0x4a: {  	_ =	shalt  }
0x4b: {  	_ =	shalt  }
0x4c: {  	_ =	shalt  }
0x4d: {  	_ =	shalt  }
0x4e: {  	_ =	shalt  }
0x4f: {  	_ =	shalt  }
0x50: {  	_ =	shalt  }
0x51: {  	_ =	shalt  }
0x52: {  	_ =	shalt  }
0x53: {  	_ =	shalt  }
0x54: {  	_ =	shalt  }
0x55: {  	_ =	shalt  }
0x56: {  	_ =	shalt  }
0x57: {  	_ =	shalt  }
0x58: {  	_ =	shalt  }
0x59: {  	_ =	shalt  }
0x5a: {  	_ =	shalt  }
0x5b: {  	_ =	shalt  }
0x5c: {  	_ =	shalt  }
0x5d: {  	_ =	shalt  }
0x5e: {  	_ =	shalt  }
0x5f: {  	_ =	shalt  }
0x60: {  	_ =	shalt  }
0x61: {  	_ =	shalt  }
0x62: {  	_ =	shalt  }
0x63: {  	_ =	shalt  }
0x64: {  	_ =	shalt  }
0x65: {  	_ =	shalt  }
0x66: {  	_ =	shalt  }
0x67: {  	_ =	shalt  }
0x68: {  	_ =	shalt  }
0x69: {  	_ =	shalt  }
0x6a: {  	_ =	shalt  }
0x6b: {  	_ =	shalt  }
0x6c: {  	_ =	shalt  }
0x6d: {  	_ =	shalt  }
0x6e: {  	_ =	shalt  }
0x6f: {  	_ =	shalt  }
0x70: {  	_ =	shalt  }
0x71: {  	_ =	shalt  }
0x72: {  	_ =	shalt  }
0x73: {  	_ =	shalt  }
0x74: {  	_ =	shalt  }
0x75: {  	_ =	shalt  }
0x76: {  	_ =	shalt  }
0x77: {  	_ =	shalt  }
0x78: {  	_ =	shalt  }
0x79: {  	_ =	shalt  }
0x7a: {  	_ =	shalt  }
0x7b: {  	_ =	shalt  }
0x7c: {  	_ =	shalt  }
0x7d: {  	_ =	shalt  }
0x7e: {  	_ =	shalt  }
0x7f: {  	_ =	shalt  }
0x80: {  	_ =	shalt  }
0x81: {  	_ =	shalt  }
0x82: {  	_ =	shalt  }
0x83: {  	_ =	shalt  }
0x84: {  	_ =	shalt  }
0x85: {  	_ =	shalt  }
0x86: {  	_ =	shalt  }
0x87: {  	_ =	shalt  }
.Lfunc_end0:
.L_simem_size_0:
called_computation_lowered:
.L_overlay_start_0:
0x88: {  	s0 =	sld [smem:$0x3FD9]  }
0x89: {  	s1 =	sld [smem:$0x3FFE];
	_ =	sdelay $0x3  }
0x8a: {  	s0 =	sadd.s32 s1, s0  }
0x8b: {  	s2 =	simm.s32 $0x0;
	[smem:$0x3FC7] =	sst s0  }
0x8c: {  	[smem:$0xF] =	sst s2  }
0x8d: {  	s0 =	sld [smem:$0x3FC9]  }
0x8e: {  	s23 =	sld [smem:$0x3FD0];
	(tm) =	ssettm $0x1  }
0x8f: {  	s3 =	sld [smem:$0x3FFB];
	_ =	sdelay $0x3  }
0x90: {  	_ =	strace s3  }
0x91: {  	s3 =	sld [smem:$0x3FFC];
	_ =	sdelay $0x3  }
0x92: {  	_ =	strace s3  }
0x93: {  	s3 =	sld [smem:$0x3FFD];
	_ =	sdelay $0x3  }
0x94: {  	_ =	strace s3  }
0x95: {  	s24 =	simm.s32 $0x1B8B;
	_ =	strace $0x8FFFFFFF  }
0x96: {  	_ =	swait.ge [sflag:s24], $0x1  }
0x97: {  	[sflag:s24] =	ssyncset.done $0x0  }
0x98: {  	s25 =	simm.s32 $0x1B8E;
	[sflag:s24] =	ssyncadd.s32 $0xFFFFFFFF  }
0x99: {  	[smem:$0x3FD2] =	sst s25  }
0x9a: {  	_ =	strace $0x80000046;
	[dreg:$0x0] =	wrdreg $0x80  }
0x9b: {  	s26 =	sld [smem:$0x0]  }
0x9c: {  	[dreg:$0x1] =	wrdreg $0x40  }
0x9d: {  	[dreg:$0x2] =	wrdreg $0x4  }
0x9e: {  	[dreg:$0x3] =	wrdreg $0x200000  }
0x9f: {  	[dreg:$0x4] =	wrdreg $0x10  }
0xa0: {  	s4 =	simm.s32 $0x9;
	s3 =	sor.u32 $0x4044000, s26;
	[dreg:$0x5] =	wrdreg $0x1  }
0xa1: {  	[hbm:s23], [sflag:s4] =	dma.general [hbm:s0], [sflag:s2], length:$0x400, [dreg:$0x0], stride_count:$0x2, ici_dest:s3, dma_misc:DstOpCode:WRITE  }
0xa2: {  	_ =	swait.ge [sflag:s4], $0x400  }
0xa3: {  	[sflag:s4] =	ssyncset.done $0x0  }
0xa4: {  	[sflag:s4] =	ssyncadd.s32 $0xFFFFFC00  }
0xa5: {  	_ =	strace $0x90000046  }
0xa6: {  	_ =	sfence  }
0xa7: {  	s28 =	sld [smem:$0x0];
	_ =	sdelay $0x1  }
0xa8: {  	s29 =	srdreg.scid  }
0xa9: {  	s30 =	sshll.u32 s29, $0xD;
	s31 =	sshrl.u32 s29, $0x2  }
0xaa: {  	s1 =	sand.u32 $0x1, s29;
	s2 =	sand.u32 $0x4000, s30;
	s0 =	sadd.s32 s31, s28  }
0xab: {  	s1 =	sor.u32 s2, s1;
	s0 =	sshll.u32 s0, $0x11  }
0xac: {  	s0 =	sor.u32 s0, s1  }
0xad: {  	s0 =	sadd.s32 $0x8F2B, s0;
	(pc) =	sbr.abs _section_cstart, $3  }
0xae: {  	[sflag:s0] =	ssyncadd.remote.s32 $0x1  }
0xaf: {  	_ =	strace $0x9FFFFFFF  }
0xb0: {  	(tm) =	ssettm $0x7FFFFFFF  }
0xb1: {  	_ =	shalt  }

</sc_bundles>
